<compile_context>
chip_gen: v7x
topology: tpu7x:2x2x1
jax: 0.10.2.dev20260603
libtpu: 0.0.44.dev20260713+nightly
codegen_flags: <defaults>
</compile_context>

<pallas_src>
import functools

import jax
import jax.numpy as jnp
from jax import lax
from jax.experimental import pallas as pl
from jax.experimental.pallas import tpu as pltpu
from jax.experimental.pallas import tpu_sc as plsc

_NC = 2
_NS = 16
_NW = _NC * _NS

_BR = 512
_A_BLOCKS = 2


def _sc_gather_body(sa_tab_hbm, som_tab_hbm, t_hbm, coef_out_hbm,
                    t_v, sa_o_v, som_o_v, sem_a, sem_b, *, b, b_per_w):
    wid = lax.axis_index("s") * _NC + lax.axis_index("c")
    base = wid * b_per_w
    pltpu.sync_copy(t_hbm.at[pl.ds(base, b_per_w)], t_v)
    cp_a = pltpu.async_copy(sa_tab_hbm.at[t_v], sa_o_v, sem_a)
    cp_b = pltpu.async_copy(som_tab_hbm.at[t_v], som_o_v, sem_b)
    cp_a.wait()
    cp_b.wait()
    pltpu.sync_copy(sa_o_v, coef_out_hbm.at[pl.ds(base, b_per_w)])
    pltpu.sync_copy(som_o_v, coef_out_hbm.at[pl.ds(b + base, b_per_w)])


def _sc_gather(sa_tab, som_tab, t):
    b = t.shape[0]
    b_per_w = b // _NW
    mesh = plsc.VectorSubcoreMesh(core_axis_name="c", subcore_axis_name="s")
    body = functools.partial(_sc_gather_body, b=b, b_per_w=b_per_w)
    k = pl.kernel(
        body,
        out_type=jax.ShapeDtypeStruct((2 * b,), jnp.float32),
        mesh=mesh,
        scratch_types=[
            pltpu.VMEM((b_per_w,), jnp.int32),
            pltpu.VMEM((b_per_w,), jnp.float32),
            pltpu.VMEM((b_per_w,), jnp.float32),
            pltpu.SemaphoreType.DMA,
            pltpu.SemaphoreType.DMA,
        ],
    )
    return k(sa_tab, som_tab, t)


def _onehot_body(t_ref, sa_tab_ref, som_tab_ref, x_ref, n_ref, o_ref):
    br = t_ref.shape[0]
    tt = sa_tab_ref.shape[1]
    tcol = t_ref[...][:, None]
    iota = lax.broadcasted_iota(jnp.int32, (br, tt), 1)
    onehot = (iota == tcol)
    sa = jnp.sum(jnp.where(onehot, sa_tab_ref[...], 0.0), axis=1)[:, None, None]
    som = jnp.sum(jnp.where(onehot, som_tab_ref[...], 0.0), axis=1)[:, None, None]
    o_ref[...] = sa * x_ref[...] + som * n_ref[...]


def _combine_a(t, sa_tab2, som_tab2, x, n):
    b, c, l = x.shape
    tt = sa_tab2.shape[1]
    row_spec = pl.BlockSpec((_BR, c, l), lambda i: (i, 0, 0))
    t_spec = pl.BlockSpec((_BR,), lambda i: (i,))
    tab_spec = pl.BlockSpec((1, tt), lambda i: (0, 0))
    return pl.pallas_call(
        _onehot_body,
        grid=(_A_BLOCKS,),
        in_specs=[t_spec, tab_spec, tab_spec, row_spec, row_spec],
        out_specs=row_spec,
        out_shape=jax.ShapeDtypeStruct((b, c, l), jnp.float32),
    )(t, sa_tab2, som_tab2, x, n)


def _coef_body(sa_ref, som_ref, x_ref, n_ref, prev_ref, o_ref):
    del prev_ref
    sa = sa_ref[...][:, None, None]
    som = som_ref[...][:, None, None]
    o_ref[...] = sa * x_ref[...] + som * n_ref[...]


def _combine_b(coef, x, n, prev):
    b, c, l = x.shape
    nblk = b // _BR
    row_spec = pl.BlockSpec((_BR, c, l), lambda i: (i + _A_BLOCKS, 0, 0))
    sa_spec = pl.BlockSpec((_BR,), lambda i: (i + _A_BLOCKS,))
    som_spec = pl.BlockSpec((_BR,), lambda i: (i + _A_BLOCKS + nblk,))
    prev_spec = pl.BlockSpec(memory_space=pl.ANY)
    return pl.pallas_call(
        _coef_body,
        grid=(nblk - _A_BLOCKS,),
        in_specs=[sa_spec, som_spec, row_spec, row_spec, prev_spec],
        out_specs=row_spec,
        out_shape=jax.ShapeDtypeStruct((b, c, l), jnp.float32),
        input_output_aliases={4: 0},
    )(coef, coef, x, n, prev)


def kernel(x_0, t, noise, sqrt_alphas_cumprod, sqrt_one_minus_alphas_cumprod):
    tt = sqrt_alphas_cumprod.shape[0]
    coef = _sc_gather(sqrt_alphas_cumprod, sqrt_one_minus_alphas_cumprod, t)
    out_a = _combine_a(t, sqrt_alphas_cumprod.reshape(1, tt),
                       sqrt_one_minus_alphas_cumprod.reshape(1, tt),
                       x_0, noise)
    return _combine_b(coef, x_0, noise, out_a)

# --- scband reference (transcript-rebuilt; emitter-appended) ---
"""Pipeline reference for scband-diffusion-schedule-41016937677081 (READ-ONLY COPY).

The authoritative reference and input builder live on the scoring server;
editing this copy changes nothing except your own understanding.
"""

import jax, jax.numpy as jnp
import numpy as np

T = 1000
BETA_START = 1e-4
BETA_END = 0.02
B, C, L = 4096, 2, 1024

def _make_schedule():
    betas = np.linspace(BETA_START, BETA_END, T, dtype=np.float64)
    alphas = 1.0 - betas
    alphas_cumprod = np.cumprod(alphas)
    sqrt_ac = np.sqrt(alphas_cumprod).astype(np.float32)
    sqrt_om = np.sqrt(1.0 - alphas_cumprod).astype(np.float32)
    return jnp.asarray(sqrt_ac), jnp.asarray(sqrt_om)

def setup_inputs(seed: int = 0) -> dict:
    key = jax.random.key(seed)
    k1, k2, k3 = jax.random.split(key, 3)
    x_0 = jax.random.normal(k1, (B, C, L), dtype=jnp.float32)
    noise = jax.random.normal(k2, (B, C, L), dtype=jnp.float32)
    t = jax.random.randint(k3, (B,), 0, T, dtype=jnp.int32)
    sqrt_alphas_cumprod, sqrt_one_minus_alphas_cumprod = _make_schedule()
    return {"x_0": x_0, "t": t, "noise": noise,
            "sqrt_alphas_cumprod": sqrt_alphas_cumprod,
            "sqrt_one_minus_alphas_cumprod": sqrt_one_minus_alphas_cumprod}

def reference(x_0, t, noise, sqrt_alphas_cumprod, sqrt_one_minus_alphas_cumprod):
    # q_sample: x_t = sqrt(abar_t) * x_0 + sqrt(1 - abar_t) * noise
    b = t.shape[0]
    ndim = x_0.ndim
    sa = jnp.take(sqrt_alphas_cumprod, t, axis=0).reshape((b,) + (1,) * (ndim - 1))
    som = jnp.take(sqrt_one_minus_alphas_cumprod, t, axis=0).reshape((b,) + (1,) * (ndim - 1))
    return sa * x_0 + som * noise

if __name__ == "__main__":
    import jax
    _d = setup_inputs()
    print(jax.jit(kernel)(*tuple(_d.values())))

</pallas_src>

<mosaic_0001>
#map = affine_map<(d0, d1) -> (0)>
module attributes {stable_mosaic.version = 14 : i64} {
  func.func @_sc_gather_body(%arg0: i32, %arg1: i32, %arg2: memref<1000xf32, #tpu.memory_space<hbm>>, %arg3: memref<1000xf32, #tpu.memory_space<hbm>>, %arg4: memref<4096xi32, #tpu.memory_space<hbm>>, %arg5: memref<8192xf32, #tpu.memory_space<hbm>>, %arg6: memref<128xi32, #tpu.memory_space<vmem>>, %arg7: memref<128xf32, #tpu.memory_space<vmem>>, %arg8: memref<128xf32, #tpu.memory_space<vmem>>, %arg9: memref<!tpu.dma_semaphore, #tpu.memory_space<semaphore_mem>>, %arg10: memref<!tpu.dma_semaphore, #tpu.memory_space<semaphore_mem>>) attributes {dimension_semantics = [#tpu.dimension_semantics<core_parallel>, #tpu.dimension_semantics<subcore_parallel>], iteration_bounds = array<i64: 2, 16>, scalar_prefetch = 0 : i64, scratch_operands = 5 : i64, tpu.core_type = #tpu.core_type<sc_vector_subcore>, window_params = [{transform_indices = #map}, {transform_indices = #map}, {transform_indices = #map}, {transform_indices = #map}]} {
    %mul3A = arith.constant 2 : i32
    %mul3A_0 = arith.muli %arg1, %mul3A : i32
    %add3A = arith.addi %mul3A_0, %arg0 : i32
    %mul3A_1 = arith.constant 128 : i32
    %mul3A_2 = arith.muli %add3A, %mul3A_1 : i32
    "tpu.region"() ({
      %run_scoped3A = tpu.sem_alloc : memref<!tpu.dma_semaphore, #tpu.memory_space<semaphore_mem>>
      %dma_start3A_11 = tpu.memref_slice %arg4[%mul3A_2] : memref<4096xi32, #tpu.memory_space<hbm>> -> memref<128xi32, #tpu.memory_space<hbm>>
      %dma_start3A_12 = tpu.memref_slice %arg4[%mul3A_2] : memref<4096xi32, #tpu.memory_space<hbm>> -> memref<128xi32, #tpu.memory_space<hbm>>
      tpu.enqueue_dma source(%dma_start3A_12 : memref<128xi32, #tpu.memory_space<hbm>>) target(%arg6 : memref<128xi32, #tpu.memory_space<vmem>>) target_semaphore(%run_scoped3A : memref<!tpu.dma_semaphore, #tpu.memory_space<semaphore_mem>>)
      %dma_wait3A_13 = tpu.memref_slice %arg4[%mul3A_2] : memref<4096xi32, #tpu.memory_space<hbm>> -> memref<128xi32, #tpu.memory_space<hbm>>
      %dma_wait3A_14 = tpu.memref_slice %arg4[%mul3A_2] : memref<4096xi32, #tpu.memory_space<hbm>> -> memref<128xi32, #tpu.memory_space<hbm>>
      tpu.wait_dma2 semaphore(%run_scoped3A : memref<!tpu.dma_semaphore, #tpu.memory_space<semaphore_mem>>) src(%dma_wait3A_14 : memref<128xi32, #tpu.memory_space<hbm>>) dst(%arg6 : memref<128xi32, #tpu.memory_space<vmem>>)
      tpu.yield
    }) : () -> ()
    %dma_start3A = arith.constant 0 : i32
    %dma_start3A_3 = tpu.memref_slice %arg2[%dma_start3A] : memref<1000xf32, #tpu.memory_space<hbm>> -> memref<1000xf32, #tpu.memory_space<hbm>>
    tpu.enqueue_indirect_dma source(%dma_start3A_3 : memref<1000xf32, #tpu.memory_space<hbm>>) target(%arg7 : memref<128xf32, #tpu.memory_space<vmem>>) offsets(%arg6 : memref<128xi32, #tpu.memory_space<vmem>>) semaphore(%arg9 : memref<!tpu.dma_semaphore, #tpu.memory_space<semaphore_mem>>)
    %dma_start3A_4 = arith.constant 0 : i32
    %dma_start3A_5 = tpu.memref_slice %arg3[%dma_start3A_4] : memref<1000xf32, #tpu.memory_space<hbm>> -> memref<1000xf32, #tpu.memory_space<hbm>>
    tpu.enqueue_indirect_dma source(%dma_start3A_5 : memref<1000xf32, #tpu.memory_space<hbm>>) target(%arg8 : memref<128xf32, #tpu.memory_space<vmem>>) offsets(%arg6 : memref<128xi32, #tpu.memory_space<vmem>>) semaphore(%arg10 : memref<!tpu.dma_semaphore, #tpu.memory_space<semaphore_mem>>)
    %dma_wait3A = arith.constant 0 : i32
    %dma_wait3A_6 = tpu.memref_slice %arg2[%dma_wait3A] : memref<1000xf32, #tpu.memory_space<hbm>> -> memref<1000xf32, #tpu.memory_space<hbm>>
    tpu.wait_indirect_dma semaphore(%arg9 : memref<!tpu.dma_semaphore, #tpu.memory_space<semaphore_mem>>) src(%dma_wait3A_6 : memref<1000xf32, #tpu.memory_space<hbm>>) dst(%arg7 : memref<128xf32, #tpu.memory_space<vmem>>)
    %dma_wait3A_7 = arith.constant 0 : i32
    %dma_wait3A_8 = tpu.memref_slice %arg3[%dma_wait3A_7] : memref<1000xf32, #tpu.memory_space<hbm>> -> memref<1000xf32, #tpu.memory_space<hbm>>
    tpu.wait_indirect_dma semaphore(%arg10 : memref<!tpu.dma_semaphore, #tpu.memory_space<semaphore_mem>>) src(%dma_wait3A_8 : memref<1000xf32, #tpu.memory_space<hbm>>) dst(%arg8 : memref<128xf32, #tpu.memory_space<vmem>>)
    "tpu.region"() ({
      %run_scoped3A = tpu.sem_alloc : memref<!tpu.dma_semaphore, #tpu.memory_space<semaphore_mem>>
      %dma_start3A_11 = tpu.memref_slice %arg5[%mul3A_2] : memref<8192xf32, #tpu.memory_space<hbm>> -> memref<128xf32, #tpu.memory_space<hbm>>
      %dma_start3A_12 = tpu.memref_slice %arg5[%mul3A_2] : memref<8192xf32, #tpu.memory_space<hbm>> -> memref<128xf32, #tpu.memory_space<hbm>>
      tpu.enqueue_dma source(%arg7 : memref<128xf32, #tpu.memory_space<vmem>>) target(%dma_start3A_12 : memref<128xf32, #tpu.memory_space<hbm>>) target_semaphore(%run_scoped3A : memref<!tpu.dma_semaphore, #tpu.memory_space<semaphore_mem>>)
      %dma_wait3A_13 = tpu.memref_slice %arg5[%mul3A_2] : memref<8192xf32, #tpu.memory_space<hbm>> -> memref<128xf32, #tpu.memory_space<hbm>>
      %dma_wait3A_14 = tpu.memref_slice %arg5[%mul3A_2] : memref<8192xf32, #tpu.memory_space<hbm>> -> memref<128xf32, #tpu.memory_space<hbm>>
      tpu.wait_dma2 semaphore(%run_scoped3A : memref<!tpu.dma_semaphore, #tpu.memory_space<semaphore_mem>>) src(%arg7 : memref<128xf32, #tpu.memory_space<vmem>>) dst(%dma_wait3A_14 : memref<128xf32, #tpu.memory_space<hbm>>)
      tpu.yield
    }) : () -> ()
    %add3A_9 = arith.constant 4096 : i32
    %add3A_10 = arith.addi %add3A_9, %mul3A_2 : i32
    "tpu.region"() ({
      %run_scoped3A = tpu.sem_alloc : memref<!tpu.dma_semaphore, #tpu.memory_space<semaphore_mem>>
      %dma_start3A_11 = tpu.memref_slice %arg5[%add3A_10] : memref<8192xf32, #tpu.memory_space<hbm>> -> memref<128xf32, #tpu.memory_space<hbm>>
      %dma_start3A_12 = tpu.memref_slice %arg5[%add3A_10] : memref<8192xf32, #tpu.memory_space<hbm>> -> memref<128xf32, #tpu.memory_space<hbm>>
      tpu.enqueue_dma source(%arg8 : memref<128xf32, #tpu.memory_space<vmem>>) target(%dma_start3A_12 : memref<128xf32, #tpu.memory_space<hbm>>) target_semaphore(%run_scoped3A : memref<!tpu.dma_semaphore, #tpu.memory_space<semaphore_mem>>)
      %dma_wait3A_13 = tpu.memref_slice %arg5[%add3A_10] : memref<8192xf32, #tpu.memory_space<hbm>> -> memref<128xf32, #tpu.memory_space<hbm>>
      %dma_wait3A_14 = tpu.memref_slice %arg5[%add3A_10] : memref<8192xf32, #tpu.memory_space<hbm>> -> memref<128xf32, #tpu.memory_space<hbm>>
      tpu.wait_dma2 semaphore(%run_scoped3A : memref<!tpu.dma_semaphore, #tpu.memory_space<semaphore_mem>>) src(%arg8 : memref<128xf32, #tpu.memory_space<vmem>>) dst(%dma_wait3A_14 : memref<128xf32, #tpu.memory_space<hbm>>)
      tpu.yield
    }) : () -> ()
    return
  }
}

module attributes {stable_mosaic.version = 14 : i64} {
  func.func @_coef_body(%arg0: i32, %arg1: memref<512xf32, #tpu.memory_space<vmem>>, %arg2: memref<512xf32, #tpu.memory_space<vmem>>, %arg3: memref<512x2x1024xf32, #tpu.memory_space<vmem>>, %arg4: memref<512x2x1024xf32, #tpu.memory_space<vmem>>, %arg5: memref<4096x2x1024xf32, #tpu.memory_space<any>>, %arg6: memref<512x2x1024xf32, #tpu.memory_space<vmem>>) attributes {dimension_semantics = [#tpu.dimension_semantics<arbitrary>], iteration_bounds = array<i64: 6>, scalar_prefetch = 0 : i64, scratch_operands = 0 : i64, tpu.core_type = #tpu.core_type<tc>, window_params = [{transform_indices = @transform_0, window_bounds = array<i64: 512>}, {transform_indices = @transform_1, window_bounds = array<i64: 512>}, {transform_indices = @transform_2, window_bounds = array<i64: 512, 2, 1024>}, {transform_indices = @transform_3, window_bounds = array<i64: 512, 2, 1024>}, {}, {transform_indices = @transform_5, window_bounds = array<i64: 512, 2, 1024>}]} {
    %get3A = arith.constant 0 : index
    %get3A_0 = vector.load %arg1[%get3A] : memref<512xf32, #tpu.memory_space<vmem>>, vector<512xf32>
    %broadcast_in_dim3A = vector.shape_cast %get3A_0 : vector<512xf32> to vector<512x1x1xf32>
    %get3A_1 = arith.constant 0 : index
    %get3A_2 = vector.load %arg2[%get3A_1] : memref<512xf32, #tpu.memory_space<vmem>>, vector<512xf32>
    %broadcast_in_dim3A_3 = vector.shape_cast %get3A_2 : vector<512xf32> to vector<512x1x1xf32>
    %get3A_4 = arith.constant 0 : index
    %get3A_5 = arith.constant 0 : index
    %get3A_6 = arith.constant 0 : index
    %get3A_7 = vector.load %arg3[%get3A_4, %get3A_5, %get3A_6] : memref<512x2x1024xf32, #tpu.memory_space<vmem>>, vector<512x2x1024xf32>
    %mul3A = vector.broadcast %broadcast_in_dim3A : vector<512x1x1xf32> to vector<512x2x1024xf32>
    %mul3A_8 = arith.mulf %mul3A, %get3A_7 : vector<512x2x1024xf32>
    %get3A_9 = arith.constant 0 : index
    %get3A_10 = arith.constant 0 : index
    %get3A_11 = arith.constant 0 : index
    %get3A_12 = vector.load %arg4[%get3A_9, %get3A_10, %get3A_11] : memref<512x2x1024xf32, #tpu.memory_space<vmem>>, vector<512x2x1024xf32>
    %mul3A_13 = vector.broadcast %broadcast_in_dim3A_3 : vector<512x1x1xf32> to vector<512x2x1024xf32>
    %mul3A_14 = arith.mulf %mul3A_13, %get3A_12 : vector<512x2x1024xf32>
    %add3A = arith.addf %mul3A_8, %mul3A_14 : vector<512x2x1024xf32>
    %swap3A = arith.constant 0 : index
    %swap3A_15 = arith.constant 0 : index
    %swap3A_16 = arith.constant 0 : index
    %swap3A_17 = vector.load %arg6[%swap3A, %swap3A_15, %swap3A_16] : memref<512x2x1024xf32, #tpu.memory_space<vmem>>, vector<512x2x1024xf32>
    tpu.vector_store %arg6[%swap3A, %swap3A_15, %swap3A_16], %add3A {strides = array<i32>} : memref<512x2x1024xf32, #tpu.memory_space<vmem>>, vector<512x2x1024xf32>,
    return
  }
  func.func @transform_0(%arg0: i32) -> i32 {
    %add3A = arith.constant 2 : i32
    %add3A_0 = arith.addi %arg0, %add3A : i32
    %c0_i32 = arith.constant 0 : i32
    return %add3A_0 : i32
  }
  func.func @transform_1(%arg0: i32) -> i32 {
    %add3A = arith.constant 2 : i32
    %add3A_0 = arith.addi %arg0, %add3A : i32
    %add3A_1 = arith.constant 8 : i32
    %add3A_2 = arith.addi %add3A_0, %add3A_1 : i32
    %c0_i32 = arith.constant 0 : i32
    return %add3A_2 : i32
  }
  func.func @transform_2(%arg0: i32) -> (i32, i32, i32) {
    %add3A = arith.constant 2 : i32
    %add3A_0 = arith.addi %arg0, %add3A : i32
    %c0_i32 = arith.constant 0 : i32
    %c0_i32_1 = arith.constant 0 : i32
    %c0_i32_2 = arith.constant 0 : i32
    return %add3A_0, %c0_i32, %c0_i32_1 : i32, i32, i32
  }
  func.func @transform_3(%arg0: i32) -> (i32, i32, i32) {
    %add3A = arith.constant 2 : i32
    %add3A_0 = arith.addi %arg0, %add3A : i32
    %c0_i32 = arith.constant 0 : i32
    %c0_i32_1 = arith.constant 0 : i32
    %c0_i32_2 = arith.constant 0 : i32
    return %add3A_0, %c0_i32, %c0_i32_1 : i32, i32, i32
  }
  func.func @transform_5(%arg0: i32) -> (i32, i32, i32) {
    %add3A = arith.constant 2 : i32
    %add3A_0 = arith.addi %arg0, %add3A : i32
    %c0_i32 = arith.constant 0 : i32
    %c0_i32_1 = arith.constant 0 : i32
    %c0_i32_2 = arith.constant 0 : i32
    return %add3A_0, %c0_i32, %c0_i32_1 : i32, i32, i32
  }
}

module attributes {stable_mosaic.version = 14 : i64} {
  func.func @_onehot_body(%arg0: i32, %arg1: memref<512xi32, #tpu.memory_space<vmem>>, %arg2: memref<1x1000xf32, #tpu.memory_space<vmem>>, %arg3: memref<1x1000xf32, #tpu.memory_space<vmem>>, %arg4: memref<512x2x1024xf32, #tpu.memory_space<vmem>>, %arg5: memref<512x2x1024xf32, #tpu.memory_space<vmem>>, %arg6: memref<512x2x1024xf32, #tpu.memory_space<vmem>>) attributes {dimension_semantics = [#tpu.dimension_semantics<arbitrary>], iteration_bounds = array<i64: 2>, scalar_prefetch = 0 : i64, scratch_operands = 0 : i64, tpu.core_type = #tpu.core_type<tc>, window_params = [{transform_indices = @transform_0, window_bounds = array<i64: 512>}, {pipeline_mode = #tpu.pipeline_mode<synchronous>, transform_indices = @transform_1, window_bounds = array<i64: 1, 1000>}, {pipeline_mode = #tpu.pipeline_mode<synchronous>, transform_indices = @transform_2, window_bounds = array<i64: 1, 1000>}, {transform_indices = @transform_3, window_bounds = array<i64: 512, 2, 1024>}, {transform_indices = @transform_4, window_bounds = array<i64: 512, 2, 1024>}, {transform_indices = @transform_5, window_bounds = array<i64: 512, 2, 1024>}]} {
    %get3A = arith.constant 0 : index
    %get3A_0 = vector.load %arg1[%get3A] : memref<512xi32, #tpu.memory_space<vmem>>, vector<512xi32>
    %broadcast_in_dim3A = vector.shape_cast %get3A_0 : vector<512xi32> to vector<512x1xi32>
    %iota3A = tpu.iota {dimensions = array<i32: 1>} : vector<512x1000xi32>
    %eq3A = vector.broadcast %broadcast_in_dim3A : vector<512x1xi32> to vector<512x1000xi32>
    %eq3A_1 = arith.cmpi eq, %iota3A, %eq3A : vector<512x1000xi32>
    %get3A_2 = arith.constant 0 : index
    %get3A_3 = arith.constant 0 : index
    %get3A_4 = vector.load %arg2[%get3A_2, %get3A_3] : memref<1x1000xf32, #tpu.memory_space<vmem>>, vector<1x1000xf32>
    %jit3A = arith.constant 0.000000e+00 : f32
    %broadcast_in_dim3A_5 = vector.shape_cast %get3A_4 : vector<1x1000xf32> to vector<1x1000xf32>
    %broadcast_in_dim3A_6 = vector.broadcast %broadcast_in_dim3A_5 : vector<1x1000xf32> to vector<512x1000xf32>
    %broadcast_in_dim3A_7 = vector.broadcast %jit3A : f32 to vector<512x1000xf32>
    %select_n3A = arith.select %eq3A_1, %broadcast_in_dim3A_6, %broadcast_in_dim3A_7 : vector<512x1000xi1>, vector<512x1000xf32>
    %reduce_sum3A = arith.constant dense<0.000000e+00> : vector<512xf32>
    %reduce_sum3A_8 = vector.multi_reduction <add>, %select_n3A, %reduce_sum3A [1] : vector<512x1000xf32> to vector<512xf32>
    %broadcast_in_dim3A_9 = vector.shape_cast %reduce_sum3A_8 : vector<512xf32> to vector<512x1x1xf32>
    %get3A_10 = arith.constant 0 : index
    %get3A_11 = arith.constant 0 : index
    %get3A_12 = vector.load %arg3[%get3A_10, %get3A_11] : memref<1x1000xf32, #tpu.memory_space<vmem>>, vector<1x1000xf32>
    %jit3A_13 = arith.constant 0.000000e+00 : f32
    %broadcast_in_dim3A_14 = vector.shape_cast %get3A_12 : vector<1x1000xf32> to vector<1x1000xf32>
    %broadcast_in_dim3A_15 = vector.broadcast %broadcast_in_dim3A_14 : vector<1x1000xf32> to vector<512x1000xf32>
    %broadcast_in_dim3A_16 = vector.broadcast %jit3A_13 : f32 to vector<512x1000xf32>
    %select_n3A_17 = arith.select %eq3A_1, %broadcast_in_dim3A_15, %broadcast_in_dim3A_16 : vector<512x1000xi1>, vector<512x1000xf32>
    %reduce_sum3A_18 = arith.constant dense<0.000000e+00> : vector<512xf32>
    %reduce_sum3A_19 = vector.multi_reduction <add>, %select_n3A_17, %reduce_sum3A_18 [1] : vector<512x1000xf32> to vector<512xf32>
    %broadcast_in_dim3A_20 = vector.shape_cast %reduce_sum3A_19 : vector<512xf32> to vector<512x1x1xf32>
    %get3A_21 = arith.constant 0 : index
    %get3A_22 = arith.constant 0 : index
    %get3A_23 = arith.constant 0 : index
    %get3A_24 = vector.load %arg4[%get3A_21, %get3A_22, %get3A_23] : memref<512x2x1024xf32, #tpu.memory_space<vmem>>, vector<512x2x1024xf32>
    %mul3A = vector.broadcast %broadcast_in_dim3A_9 : vector<512x1x1xf32> to vector<512x2x1024xf32>
    %mul3A_25 = arith.mulf %mul3A, %get3A_24 : vector<512x2x1024xf32>
    %get3A_26 = arith.constant 0 : index
    %get3A_27 = arith.constant 0 : index
    %get3A_28 = arith.constant 0 : index
    %get3A_29 = vector.load %arg5[%get3A_26, %get3A_27, %get3A_28] : memref<512x2x1024xf32, #tpu.memory_space<vmem>>, vector<512x2x1024xf32>
    %mul3A_30 = vector.broadcast %broadcast_in_dim3A_20 : vector<512x1x1xf32> to vector<512x2x1024xf32>
    %mul3A_31 = arith.mulf %mul3A_30, %get3A_29 : vector<512x2x1024xf32>
    %add3A = arith.addf %mul3A_25, %mul3A_31 : vector<512x2x1024xf32>
    %swap3A = arith.constant 0 : index
    %swap3A_32 = arith.constant 0 : index
    %swap3A_33 = arith.constant 0 : index
    %swap3A_34 = vector.load %arg6[%swap3A, %swap3A_32, %swap3A_33] : memref<512x2x1024xf32, #tpu.memory_space<vmem>>, vector<512x2x1024xf32>
    tpu.vector_store %arg6[%swap3A, %swap3A_32, %swap3A_33], %add3A {strides = array<i32>} : memref<512x2x1024xf32, #tpu.memory_space<vmem>>, vector<512x2x1024xf32>,
    return
  }
  func.func @transform_0(%arg0: i32) -> i32 {
    %c0_i32 = arith.constant 0 : i32
    return %arg0 : i32
  }
  func.func @transform_1(%arg0: i32) -> (i32, i32) {
    %c0_i32 = arith.constant 0 : i32
    %c0_i32_0 = arith.constant 0 : i32
    %c0_i32_1 = arith.constant 0 : i32
    return %c0_i32, %c0_i32_0 : i32, i32
  }
  func.func @transform_2(%arg0: i32) -> (i32, i32) {
    %c0_i32 = arith.constant 0 : i32
    %c0_i32_0 = arith.constant 0 : i32
    %c0_i32_1 = arith.constant 0 : i32
    return %c0_i32, %c0_i32_0 : i32, i32
  }
  func.func @transform_3(%arg0: i32) -> (i32, i32, i32) {
    %c0_i32 = arith.constant 0 : i32
    %c0_i32_0 = arith.constant 0 : i32
    %c0_i32_1 = arith.constant 0 : i32
    return %arg0, %c0_i32, %c0_i32_0 : i32, i32, i32
  }
  func.func @transform_4(%arg0: i32) -> (i32, i32, i32) {
    %c0_i32 = arith.constant 0 : i32
    %c0_i32_0 = arith.constant 0 : i32
    %c0_i32_1 = arith.constant 0 : i32
    return %arg0, %c0_i32, %c0_i32_0 : i32, i32, i32
  }
  func.func @transform_5(%arg0: i32) -> (i32, i32, i32) {
    %c0_i32 = arith.constant 0 : i32
    %c0_i32_0 = arith.constant 0 : i32
    %c0_i32_1 = arith.constant 0 : i32
    return %arg0, %c0_i32, %c0_i32_0 : i32, i32, i32
  }
}

</mosaic_0001>

<sc_bundles>
// kernel: kernel.5.cloned.1.call-start
scs
__scs_entry_jumppad:
0x0: {  	(pc) =	sbr.rel $0x88, $3  }
0x1: {  	(tag) =	ssettag $0x0;
	lr =	simm.s32 $0x1  }
0x2: {  	[smem:$0x3F9C] =	sst lr;
	_ =	strace $0xD0000000  }
0x3: {  	_ = 	snop  }
0x4: {  	_ = 	snop  }
0x5: {  	_ = 	snop  }
0x6: {  	_ = 	snop  }
0x7: {  	_ = 	snop  }
__scs_overlays_trampoline_lowered:
0x8: {  	[smem:$0x3FAB] =	sst s0  }
0x9: {  	[smem:$0x3FAC] =	sst s1  }
0xa: {  	[smem:$0x3FAD] =	sst s2  }
0xb: {  	[smem:$0x3FAE] =	sst s3  }
0xc: {  	[smem:$0x3FAF] =	sst s4  }
0xd: {  	[smem:$0x3FB0] =	sst s5  }
0xe: {  	[smem:$0x3FB1] =	sst s6  }
0xf: {  	[smem:$0x3FB2] =	sst s7  }
0x10: {  	[smem:$0x3FB3] =	sst s8  }
0x11: {  	[smem:$0x3FB4] =	sst s9;
	s0 =	simm.s32 @!p0 $0x0  }
0x12: {  	s1 =	sld [smem:$0x3F9A];
	s0 =	simm.s32 @p0 $0x1  }
0x13: {  	[smem:$0x3FB5] =	sst s0;
	s0 =	simm.s32 @!p1 $0x0  }
0x14: {  	s2 =	sld [smem:$0x3F99];
	s0 =	simm.s32 @p1 $0x1  }
0x15: {  	[smem:$0x3FB6] =	sst s0;
	s0 =	simm.s32 @!p2 $0x0  }
0x16: {  	s3 =	sld [smem:$0x3FDB];
	s0 =	simm.s32 @p2 $0x1  }
0x17: {  	s4 =	simm.s32 $0x1BF5;
	[smem:$0x3FB8] =	sst s0  }
0x18: {  	s0 =	sld [smem:$0x3F9B];
	_ =	swait.ge [sflag:s4], $0x0  }
0x19: {  	s7 =	sld [smem:$0x3F9C]  }
0x1a: {  	s8 =	sadd.s32 $0xFFFFE003, lr  }
0x1b: {  	s9 =	sadd.s32 $0xFFFFFEF7, lr;
	s5 =	simm.s32 $0xFFFFFFFF;
	p2 =	slt.u32 s8, $0xFFFFF086  }
0x1c: {  	p1 =	slt.u32 s9, $0xF7A;
	s5 =	simm.s32 @!p2 $0x0  }
0x1d: {  	s5 =	simm.s32 @p1 $0x1;
	p0 =	seq.s32 s7, s2  }
0x1e: {  	s7 =	smul.u32 @!p0 $0xF7A, s2;
	p2 =	seq.s32 @!p0 s5, $0x0  }
0x1f: {  	s9 =	smul.u32 $0xF7A, s1;
	s8 =	simm.s32 @!p0 $0x1BF5;
	p2 =	por !p2, p0  }
0x20: {  	[sflag:s8] =	ssyncset.s32 @!p0 $0xFFFFF086;
	s6 =	sadd.s32 @!p0 s3, s7;
	s7 =	simm.s32 @!p0 $0x108  }
0x21: {  	s3 =	sadd.s32 s3, s9;
	s6 =	sadd.s32 @!p0 $0x88, s6;
	s7 =	simm.s32 @p2 $0x1082  }
0x22: {  	[simem:s7], [sflag:s8] =	dma.local @!p0 [hbm:s6], $0xF7A  }
0x23: {  	s9 =	sor.u32 $0xD0000000, s2;
	s6 =	simm.s32 $0x108;
	_ =	swait.ge @!p0 [sflag:s8], $0x0  }
0x24: {  	s3 =	sadd.s32 $0x88, s3;
	s6 =	simm.s32 @!p1 $0x1082;
	[sflag:s4] =	ssyncset.s32 $0xFFFFF086  }
0x25: {  	[simem:s6], [sflag:s4] =	dma.local [hbm:s3], $0xF7A  }
0x26: {  	[smem:$0x3F9C] =	sst s1;
	(tag) =	ssettag s2;
	_ =	strace s9  }
0x27: {  	s1 =	sld [smem:$0x3FAC]  }
0x28: {  	s2 =	sld [smem:$0x3FAD]  }
0x29: {  	s4 =	sld [smem:$0x3FAF]  }
0x2a: {  	p0 =	seq.s32 s5, $0x0;
	s5 =	sld [smem:$0x3FB0]  }
0x2b: {  	s6 =	sld [smem:$0x3FB1]  }
0x2c: {  	s7 =	sld [smem:$0x3FB2]  }
0x2d: {  	s3 =	simm.s32 $0x108;
	s8 =	sld [smem:$0x3FB3]  }
0x2e: {  	s3 =	simm.s32 @!p0 $0x1082;
	s9 =	sld [smem:$0x3FB4]  }
0x2f: {  	lr =	sadd.s32 s0, s3;
	s0 =	sld [smem:$0x3FAB]  }
0x30: {  	s3 =	sld [smem:$0x3FAE]  }
0x31: {  	[smem:$0x3FB7] =	sst s10  }
0x32: {  	s10 =	sld [smem:$0x3FB5];
	_ =	sdelay $0x3  }
0x33: {  	p0 =	seq.s32 s10, $0x1;
	s10 =	sld [smem:$0x3FB7];
	_ =	sdelay $0x3  }
0x34: {  	[smem:$0x3FB7] =	sst s10  }
0x35: {  	s10 =	sld [smem:$0x3FB6];
	_ =	sdelay $0x3  }
0x36: {  	p1 =	seq.s32 s10, $0x1;
	s10 =	sld [smem:$0x3FB7];
	_ =	sdelay $0x3  }
0x37: {  	[smem:$0x3FB7] =	sst s10  }
0x38: {  	s10 =	sld [smem:$0x3FB8]  }
0x39: {  	_ = 	snop;
	(pc) =	sbr.ind lr, $3  }
0x3a: {  	_ = 	snop  }
0x3b: {  	_ = 	snop  }
0x3c: {  	p2 =	seq.s32 s10, $0x1;
	s10 =	sld [smem:$0x3FB7]  }
0x3d: {  	_ =	shalt  }
0x3e: {  	_ =	shalt  }
0x3f: {  	_ =	shalt  }
0x40: {  	_ =	shalt  }
0x41: {  	_ =	shalt  }
0x42: {  	_ =	shalt  }
0x43: {  	_ =	shalt  }
0x44: {  	_ =	shalt  }
0x45: {  	_ =	shalt  }
0x46: {  	_ =	shalt  }
0x47: {  	_ =	shalt  }
0x48: {  	_ =	shalt  }
0x49: {  	_ =	shalt  }
0x4a: {  	_ =	shalt  }
0x4b: {  	_ =	shalt  }
0x4c: {  	_ =	shalt  }
0x4d: {  	_ =	shalt  }
0x4e: {  	_ =	shalt  }
0x4f: {  	_ =	shalt  }
0x50: {  	_ =	shalt  }
0x51: {  	_ =	shalt  }
0x52: {  	_ =	shalt  }
0x53: {  	_ =	shalt  }
0x54: {  	_ =	shalt  }
0x55: {  	_ =	shalt  }
0x56: {  	_ =	shalt  }
0x57: {  	_ =	shalt  }
0x58: {  	_ =	shalt  }
0x59: {  	_ =	shalt  }
0x5a: {  	_ =	shalt  }
0x5b: {  	_ =	shalt  }
0x5c: {  	_ =	shalt  }
0x5d: {  	_ =	shalt  }
0x5e: {  	_ =	shalt  }
0x5f: {  	_ =	shalt  }
0x60: {  	_ =	shalt  }
0x61: {  	_ =	shalt  }
0x62: {  	_ =	shalt  }
0x63: {  	_ =	shalt  }
0x64: {  	_ =	shalt  }
0x65: {  	_ =	shalt  }
0x66: {  	_ =	shalt  }
0x67: {  	_ =	shalt  }
0x68: {  	_ =	shalt  }
0x69: {  	_ =	shalt  }
0x6a: {  	_ =	shalt  }
0x6b: {  	_ =	shalt  }
0x6c: {  	_ =	shalt  }
0x6d: {  	_ =	shalt  }
0x6e: {  	_ =	shalt  }
0x6f: {  	_ =	shalt  }
0x70: {  	_ =	shalt  }
0x71: {  	_ =	shalt  }
0x72: {  	_ =	shalt  }
0x73: {  	_ =	shalt  }
0x74: {  	_ =	shalt  }
0x75: {  	_ =	shalt  }
0x76: {  	_ =	shalt  }
0x77: {  	_ =	shalt  }
0x78: {  	_ =	shalt  }
0x79: {  	_ =	shalt  }
0x7a: {  	_ =	shalt  }
0x7b: {  	_ =	shalt  }
0x7c: {  	_ =	shalt  }
0x7d: {  	_ =	shalt  }
0x7e: {  	_ =	shalt  }
0x7f: {  	_ =	shalt  }
0x80: {  	_ =	shalt  }
0x81: {  	_ =	shalt  }
0x82: {  	_ =	shalt  }
0x83: {  	_ =	shalt  }
0x84: {  	_ =	shalt  }
0x85: {  	_ =	shalt  }
0x86: {  	_ =	shalt  }
0x87: {  	_ =	shalt  }
.Lfunc_end0:
.L_simem_size_0:
called_computation_lowered:
.L_overlay_start_0:
0x88: {  	s2 =	sld [smem:$0x3FD9]  }
0x89: {  	s3 =	sld [smem:$0x3FFE];
	_ =	sdelay $0x1  }
0x8a: {  	s1 =	srdreg.scid  }
0x8b: {  	s0 =	sand.u32 $0x1, s1  }
0x8c: {  	s17 =	sshll.u32 s0, $0xA;
	s2 =	sadd.s32 s3, s2  }
0x8d: {  	s2 =	sadd.s32 s2, s17  }
0x8e: {  	[smem:$0x3FC3] =	sst s2  }
0x8f: {  	_ = 	snop  }
0x90: {  	s2 =	sld [smem:$0x3FC8]  }
0x91: {  	s18 =	sld [smem:$0x3FC6]  }
0x92: {  	s4 =	sld [smem:$0x3FC5];
	(tm) =	ssettm $0x1  }
0x93: {  	s5 =	sld [smem:$0x3FFB];
	_ =	sdelay $0x3  }
0x94: {  	_ =	strace s5  }
0x95: {  	s5 =	sld [smem:$0x3FFC];
	_ =	sdelay $0x3  }
0x96: {  	_ =	strace s5  }
0x97: {  	s5 =	sld [smem:$0x3FFD];
	_ =	sdelay $0x3  }
0x98: {  	_ =	strace s5  }
0x99: {  	_ =	strace $0x8FFFFFFF  }
0x9a: {  	s19 =	sld [smem:$0x3FDB];
	_ =	sdelay $0x1  }
0x9b: {  	s6 =	simm.s32 $_scs_section_size  }
0x9c: {  	s7 =	simm.s32 $_size__tile_overlayer_lowered;
	s8 =	simm.s32 $_tile_overlayer_lowered  }
0x9d: {  	s22 =	simm.s32 $0x1BFF;
	s21 =	sshll.u32 s8, $0x1;
	s5 =	sadd.s32 s6, s19  }
0x9e: {  	s9 =	simm.s32 $0x0;
	s20 =	sshll.u32 s7, $0x1;
	s7 =	sadd.s32 s21, s5  }
0x9f: {  	[timem:s9], [sflag:s22] =	dma.local [hbm:s7], s20  }
0xa0: {  	_ =	swait.ge [sflag:s22], s20  }
0xa1: {  	s6 =	ssub.s32 $0x0, s20;
	[sflag:s22] =	ssyncset.done $0x0  }
0xa2: {  	[sflag:s22] =	ssyncadd.s32 s6;
	_ =	sdelay $0x1  }
0xa3: {  	s23 =	simm.s32 $0x1B8B  }
0xa4: {  	_ =	swait.ge [sflag:s23], $0x1  }
0xa5: {  	[sflag:s23] =	ssyncset.done $0x0  }
0xa6: {  	s25 =	simm.s32 $0x1B8E;
	s24 =	sld [smem:$0x3FFE];
	[sflag:s23] =	ssyncadd.s32 $0xFFFFFFFF  }
0xa7: {  	s26 =	simm.s32 $execute0_lowered;
	[smem:$0x3FD2] =	sst s25  }
0xa8: {  	s7 =	sshll.u32 s26, $0x1;
	_ =	strace $0x80000046;
	[dreg:$0x1] =	wrdreg $0xFFFFFFFF  }
0xa9: {  	s28 =	simm.s32 $_size_execute0_lowered;
	s5 =	sadd.s32 s5, s7;
	[dreg:$0x0] =	wrdreg $0x0  }
0xaa: {  	s7 =	sshll.u32 s28, $0x1;
	[dreg:$0x2] =	wrdreg s5  }
0xab: {  	[dreg:$0x3] =	wrdreg s7  }
0xac: {  	[dreg:$0x4] =	wrdreg $0xC0  }
0xad: {  	_ =	task [dreg:s9], $0x5FFFF  }
0xae: {  	[dreg:$0x1] =	wrdreg $0xFFFFFFFF  }
0xaf: {  	[dreg:$0x0] =	wrdreg $0x60  }
0xb0: {  	[dreg:$0x2] =	wrdreg s18  }
0xb1: {  	[dreg:$0x3] =	wrdreg s4  }
0xb2: {  	[dreg:$0x4] =	wrdreg s2  }
0xb3: {  	[dreg:$0x5] =	wrdreg s24  }
0xb4: {  	[dreg:$0x6] =	wrdreg $0x9  }
0xb5: {  	_ =	task.clear_ibuf [dreg:s9], $0x7FFFF;
	_ =	strace $0x90000046  }
0xb6: {  	s29 =	simm.s32 $0x9;
	_ =	strace $0x80000048  }
0xb7: {  	_ =	swait.ge [sflag:s29], $0x1  }
0xb8: {  	[sflag:s29] =	ssyncadd.s32 $0xFFFFFFFF  }
0xb9: {  	_ =	strace $0x90000048  }
0xba: {  	_ =	sfence  }
0xbb: {  	s30 =	sld [smem:$0x0];
	_ =	sdelay $0x2  }
0xbc: {  	s31 =	sshll.u32 s1, $0xD;
	s1 =	sshrl.u32 s1, $0x2  }
0xbd: {  	s3 =	sand.u32 $0x4000, s31;
	s1 =	sadd.s32 s1, s30  }
0xbe: {  	s0 =	sor.u32 s3, s0;
	s1 =	sshll.u32 s1, $0x11  }
0xbf: {  	s0 =	sor.u32 s1, s0  }
0xc0: {  	s0 =	sadd.s32 $0x8F2B, s0  }
0xc1: {  	[sflag:s0] =	ssyncadd.remote.s32 $0x1  }
0xc2: {  	_ =	sfence.sel $0xFFFF  }
0xc3: {  	[dreg:$0x0] =	wrdreg $0xFFFFFFFF;
	(pc) =	sbr.abs _section_cstart, $3  }
0xc4: {  	[dreg:$0x1] =	wrdreg $0xFFFFFFFF  }
0xc5: {  	_ =	task.clear_ibuf [dreg:s9], $0x2FFFF;
	_ =	strace $0x9FFFFFFF  }
0xc6: {  	(tm) =	ssettm $0x7FFFFFFF  }
0xc7: {  	_ =	shalt  }
tec
execute0_lowered:
.L_overlay_start_1:
0x0: {  	(tag) =	ssettag $0x1  }
0x1: {  	s1 =	rddreg [dreg:$0x0]  }
0x2: {  	s3 =	rddreg [dreg:$0x1]  }
0x3: {  	s5 =	rddreg [dreg:$0x2]  }
0x4: {  	s11 =	rddreg [dreg:$0x3];
	s4 =	srdreg.scid  }
0x5: {  	s0 =	rddreg [dreg:$0x4];
	s2 =	stileid.u32;
	s12 =	sand.u32 $0x1, s4  }
0x6: {  	s4 =	simm.s32 $0x0;
	s6 =	sshll.u32 s2, $0x5;
	s7 =	sshll.u32 s12, $0x4  }
0x7: {  	[smem:$0x7FF] =	sst s4;
	s13 =	sor.u32 s7, s6  }
0x8: {  	_ =	strace $0x80000047;
	s6 =	sadd.s32 s5, s13;
	s5 =	simm.s32 $0x3  }
0x9: {  	[tilespmem:s4], [sflag:$0x3] =	stream.linear.gather [hbm4b:s6+s4], $0x80, $0x38;
	[tilespmem:$0x180] =	vst v63  }
0xa: {  	_ =	swait.ge [sflag:s5], $0x80  }
0xb: {  	[sflag:s5] =	ssyncset.done $0x0  }
0xc: {  	s7 =	simm.s32 $0x80;
	[sflag:s5] =	ssyncadd.s32 $0xFFFFFF80  }
0xd: {  	[tilespmem:s7], [sflag:$0x1] =	stream.indirect.gather [hbm4b:s1+s7], $0x1, s4, s7, $0xb8;
	[tilespmem:$0x180] =	vst v63  }
0xe: {  	s8 =	simm.s32 $0x100;
	s9 =	simm.s32 $0x1  }
0xf: {  	[tilespmem:s8], [sflag:$0x2] =	stream.indirect.gather [hbm4b:s3+s7], $0x1, s4, s7, $0xb8;
	[tilespmem:$0x180] =	vst v63  }
0x10: {  	_ =	swait.ge [sflag:s9], $0x80  }
0x11: {  	[sflag:s9] =	ssyncset.done $0x0  }
0x12: {  	s10 =	simm.s32 $0x2;
	s12 =	ssub.s32 $0x2, s12;
	[sflag:s9] =	ssyncadd.s32 $0xFFFFFF80  }
0x13: {  	s14 =	sshrl.u32 s12, $0x1;
	_ =	swait.ge [sflag:s10], $0x80  }
0x14: {  	s13 =	sadd.s32 s13, s11;
	s14 =	ssub.s32 s12, s14;
	[sflag:s10] =	ssyncset.done $0x0  }
0x15: {  	s11 =	sadd.s32 $0xC00, s13;
	s31 =	smax.u32 s14, $0x1;
	[sflag:s10] =	ssyncadd.s32 $0xFFFFFF80  }
0x16: {  	[hbm4b:s11+s4] =	stream.linear.scatter [tilespmem:s7], [sflag:$0x3], $0x80, $0x38;
	[tilespmem:$0x180] =	vst v63  }
0x17: {  	p0 =	sne.s32 s31, $0x1;
	_ =	swait.ge [sflag:s5], $0x80  }
.Ltmp0:
0x18: {  	[sflag:s5] =	ssyncset.done $0x0;
	(pc) =	sbr.rel @!p0 .LBB2_2-.Ltmp0, $4  }
0x19: {  	s12 =	sadd.s32 $0xE00, s13;
	[sflag:s5] =	ssyncadd.s32 $0xFFFFFF80  }
0x1a: {  	[hbm4b:s12+s4] =	stream.linear.scatter [tilespmem:s8], [sflag:$0x3], $0x80, $0x38;
	[tilespmem:$0x180] =	vst v63  }
0x1b: {  	_ =	swait.ge [sflag:s5], $0x80  }
0x1c: {  	s13 =	sadd.s32 $0xFFFFFFFF, s31;
	[sflag:s5] =	ssyncset.done $0x0  }
.LBB2_1:
0x1d: {  	p0 =	sne.s32 s13, $0x1;
	s13 =	sadd.s32 $0xFFFFFFFF, s13;
	[sflag:s5] =	ssyncadd.s32 $0xFFFFFF80  }
0x1e: {  	[tilespmem:s4], [sflag:$0x3] =	stream.linear.gather [hbm4b:s6+s4], $0x80, $0x38;
	[tilespmem:$0x180] =	vst v63  }
0x1f: {  	_ =	swait.ge [sflag:s5], $0x80  }
0x20: {  	[sflag:s5] =	ssyncset.done $0x0  }
0x21: {  	[sflag:s5] =	ssyncadd.s32 $0xFFFFFF80  }
0x22: {  	[tilespmem:s7], [sflag:$0x1] =	stream.indirect.gather [hbm4b:s1+s7], $0x1, s4, s7, $0xb8;
	[tilespmem:$0x180] =	vst v63  }
0x23: {  	_ = 	snop  }
0x24: {  	[tilespmem:s8], [sflag:$0x2] =	stream.indirect.gather [hbm4b:s3+s7], $0x1, s4, s7, $0xb8;
	[tilespmem:$0x180] =	vst v63  }
0x25: {  	_ =	swait.ge [sflag:s9], $0x80  }
0x26: {  	[sflag:s9] =	ssyncset.done $0x0  }
0x27: {  	[sflag:s9] =	ssyncadd.s32 $0xFFFFFF80  }
0x28: {  	_ =	swait.ge [sflag:s10], $0x80  }
0x29: {  	[sflag:s10] =	ssyncset.done $0x0  }
0x2a: {  	[sflag:s10] =	ssyncadd.s32 $0xFFFFFF80  }
0x2b: {  	[hbm4b:s11+s4] =	stream.linear.scatter [tilespmem:s7], [sflag:$0x3], $0x80, $0x38;
	[tilespmem:$0x180] =	vst v63  }
0x2c: {  	_ =	swait.ge [sflag:s5], $0x80  }
.Ltmp1:
0x2d: {  	[sflag:s5] =	ssyncset.done $0x0;
	(pc) =	sbr.rel @p0 .LBB2_1-.Ltmp1, $4  }
0x2e: {  	[sflag:s5] =	ssyncadd.s32 $0xFFFFFF80  }
0x2f: {  	[hbm4b:s12+s4] =	stream.linear.scatter [tilespmem:s8], [sflag:$0x3], $0x80, $0x38;
	[tilespmem:$0x180] =	vst v63  }
0x30: {  	_ =	swait.ge [sflag:s5], $0x80  }
0x31: {  	[sflag:s5] =	ssyncset.done $0x0  }
.LBB2_2:
0x32: {  	[sflag:s5] =	ssyncadd.s32 $0xFFFFFF80  }
0x33: {  	_ =	sfence.sel $0x180000  }
0x34: {  	[bflag:$0x0] =	sbarrier.arrive $0xFFFF  }
0x35: {  	p0 =	sne.s32 s2, $0x0;
	_ =	strace $0x90000047  }
0x36: {  	s0 =	sadd.s32 @!p0 $0x100000, s0;
	[bflag:$0x2] =	sbarrier.arrive $0xFFFF  }
0x37: {  	[sflag:s0] =	ssyncadd.tile.s32 @!p0 $0x1;
	_ =	shalt  }
.Lfunc_end2:
_tile_overlayer_lowered:
.L_overlay_start_2:
0x38: {  	(tag) =	ssettag $0x2  }
0x39: {  	s0 =	rddreg [dreg:$0x0];
	s2 =	stileid.u32  }
0x3a: {  	s1 =	rddreg [dreg:$0x1];
	p0 =	sne.s32 s2, $0x0  }
0x3b: {  	s3 =	rddreg [dreg:$0x2];
	[bflag:$0x3] =	sbarrier.arrive $0xFFFF;
	s2 =	simm.s32 @!p0 $0x1C03  }
0x3c: {  	[timem:s3], [sflag:s2] =	dma.local @!p0 [hbm:s0], s1  }
0x3d: {  	s0 =	simm.s32 @!p0 $0x3  }
0x3e: {  	_ =	swait.ge @!p0 [sflag:s0], s1  }
0x3f: {  	s1 =	ssub.s32 @!p0 $0x0, s1;
	[sflag:s0] =	ssyncset.done @!p0 $0x0  }
0x40: {  	[sflag:s0] =	ssyncadd.s32 @!p0 s1  }
0x41: {  	[bflag:$0x3] =	sbarrier.arrive $0xFFFF  }
0x42: {  	_ =	shalt  }

</sc_bundles>
